<compile_context>
chip_gen: v7x
topology: tpu7x:2x2x1
jax: 0.10.2.dev20260603
libtpu: 0.0.44.dev20260713+nightly
codegen_flags: <defaults>
</compile_context>

<pallas_src>
import functools

import numpy as np
import jax
import jax.numpy as jnp
from jax import lax
from jax.experimental import pallas as pl
from jax.experimental.pallas import tpu as pltpu
from jax.experimental.pallas import tpu_sc as plsc

RES = 32
CH = 4
PS = 3
PD = 108
B = 4
S = 2048
DIN = 64

NPTS = B * S
NOFF = PS ** 3
NOFFP = 32
ROWSP = NPTS * NOFFP
GRID = B * RES ** 3
RW = 8
YW = NOFFP * RW

NC, NS = 2, 16
NW = NC * NS
RPW = ROWSP // NW
ICH = 128
NIC = RPW // ICH
RB = 4096
NB = RPW // RB
CPB = RB // ICH
ZR = GRID // NS

MLP_BLK = 512
PROJ_BLK = 2048

_MP = np.zeros((PD, YW), np.float32)
for _j in range(PD):
    _MP[_j, RW * (_j // 4) + (_j // 27)] = 1.0
_CNT = np.zeros((YW,), np.float32)
for _j in range(NOFF):
    _CNT[RW * (_j // 4) + 4] += 1.0

def _gelu(v):
    return 0.5 * v * (1.0 + lax.erf(v * np.float32(0.7071067811865476)))


def _mlp_body(pos_ref, x_ref, w1_ref, b1_ref, w2_ref, b2_ref, wf_ref, bf_ref,
              y_ref, v_ref):
    h = _gelu(jnp.dot(x_ref[...], w1_ref[...],
                      preferred_element_type=jnp.float32) + b1_ref[...])
    h = _gelu(jnp.dot(h, w2_ref[...],
                      preferred_element_type=jnp.float32) + b2_ref[...])
    y_ref[...] = jnp.dot(h, wf_ref[...],
                         preferred_element_type=jnp.float32) + bf_ref[...]

    p = (pos_ref[...] * np.float32(RES)).astype(jnp.int32)
    row0 = pl.program_id(0) * MLP_BLK
    bidx = (row0 + lax.broadcasted_iota(jnp.int32, (MLP_BLK, 1), 0)) // S
    kk = lax.broadcasted_iota(jnp.int32, (1, NOFFP), 1)
    d0 = (kk // 3) % 3 - 1
    d1 = kk // 9 - 1
    d2 = kk % 3 - 1
    c0 = jnp.clip(p[:, 0:1] + d0, 0, RES - 1)
    c1 = jnp.clip(p[:, 1:2] + d1, 0, RES - 1)
    c2 = jnp.clip(p[:, 2:3] + d2, 0, RES - 1)
    vid = ((bidx * RES + c0) * RES + c1) * RES + c2
    v_ref[...] = jnp.where(kk < NOFF, vid, 0)


_mlp_call = pl.pallas_call(
    _mlp_body,
    grid=(NPTS // MLP_BLK,),
    in_specs=[
        pl.BlockSpec((MLP_BLK, 3), lambda i: (i, 0)),
        pl.BlockSpec((MLP_BLK, DIN), lambda i: (i, 0)),
        pl.BlockSpec((DIN, PD * 8), lambda i: (0, 0)),
        pl.BlockSpec((1, PD * 8), lambda i: (0, 0)),
        pl.BlockSpec((PD * 8, PD * 4), lambda i: (0, 0)),
        pl.BlockSpec((1, PD * 4), lambda i: (0, 0)),
        pl.BlockSpec((PD * 4, YW), lambda i: (0, 0)),
        pl.BlockSpec((1, YW), lambda i: (0, 0)),
    ],
    out_specs=[
        pl.BlockSpec((MLP_BLK, YW), lambda i: (i, 0)),
        pl.BlockSpec((MLP_BLK, NOFFP), lambda i: (i, 0)),
    ],
    out_shape=[
        jax.ShapeDtypeStruct((NPTS, YW), jnp.float32),
        jax.ShapeDtypeStruct((NPTS, NOFFP), jnp.int32),
    ],
    compiler_params=pltpu.CompilerParams(
        dimension_semantics=("parallel",)),
)


def _scatter_body(v_hbm, u_hbm, z_hbm, out_hbm, idx_v, rows_v, acc):
    cid = lax.axis_index("c")
    sid = lax.axis_index("s")
    wid = sid * NC + cid
    pltpu.sync_copy(v_hbm.at[pl.ds(wid * NIC, NIC)], idx_v)
    pltpu.sync_copy(z_hbm, acc.at[pl.ds(sid * ZR, ZR)])
    plsc.subcore_barrier()

    for bi in range(NB):
        pltpu.sync_copy(u_hbm.at[pl.ds(wid * RPW + bi * RB, RB)], rows_v)

        def body(j, carry, bi=bi):
            pltpu.sync_copy(rows_v.at[pl.ds(j * ICH, ICH)],
                            acc.at[idx_v.at[bi * CPB + j]], add=True)
            return carry

        lax.fori_loop(0, CPB, body, 0)
    plsc.subcore_barrier()
    pltpu.sync_copy(acc.at[pl.ds(sid * ZR, ZR)],
                    out_hbm.at[cid].at[pl.ds(sid * ZR, ZR)])


@functools.cache
def _get_scatter_kernel():
    mesh = plsc.VectorSubcoreMesh(
        core_axis_name="c", subcore_axis_name="s",
        num_cores=NC, num_subcores=NS)
    return pl.kernel(
        _scatter_body,
        out_type=jax.ShapeDtypeStruct((NC, GRID, RW), jnp.float32),
        mesh=mesh,
        scratch_types=[
            pltpu.VMEM((NIC, ICH), jnp.int32),
            pltpu.VMEM((RB, RW), jnp.float32),
            pltpu.VMEM_SHARED((GRID, RW), jnp.float32),
        ],
        compiler_params=pltpu.CompilerParams(use_tc_tiling_on_sc=False),
    )


def _proj_body(acc_ref, wp_ref, bp_ref, o_ref):
    a = acc_ref[0] + acc_ref[1]
    o_ref[...] = jnp.dot(a, wp_ref[...],
                         preferred_element_type=jnp.float32) + bp_ref[...]


_proj_call = pl.pallas_call(
    _proj_body,
    grid=(GRID // PROJ_BLK,),
    in_specs=[
        pl.BlockSpec((NC, PROJ_BLK, RW), lambda i: (0, i, 0)),
        pl.BlockSpec((RW, PD), lambda i: (0, 0)),
        pl.BlockSpec((1, PD), lambda i: (0, 0)),
    ],
    out_specs=pl.BlockSpec((PROJ_BLK, PD), lambda i: (i, 0)),
    out_shape=jax.ShapeDtypeStruct((GRID, PD), jnp.float32),
    compiler_params=pltpu.CompilerParams(
        dimension_semantics=("parallel",)),
)


def kernel(positions, x, W1, b1, W2, b2, Wf, bf, Wp, bp):
    wf216 = Wf @ jnp.asarray(_MP)
    bf216 = (bf @ jnp.asarray(_MP) + jnp.asarray(_CNT)).reshape(1, -1)
    y, v = _mlp_call(positions.reshape(NPTS, 3), x.reshape(NPTS, DIN),
                     W1, b1.reshape(1, -1), W2, b2.reshape(1, -1),
                     wf216, bf216)
    u = y.reshape(ROWSP, RW)
    vr = v.reshape(NW * NIC, ICH)
    zeros = jnp.zeros((ZR, RW), jnp.float32)
    accs = _get_scatter_kernel()(vr, u, zeros)
    wp8 = jnp.concatenate([Wp, jnp.zeros((3, PD), Wp.dtype)], axis=0)
    out = _proj_call(accs, wp8, bp.reshape(1, -1))
    return out.reshape(B, RES, RES, RES, PD)

# --- scband reference (transcript-rebuilt; emitter-appended) ---
"""Pipeline reference for scband-scatter-and-avg3-d-31353261261001 (READ-ONLY COPY).

The authoritative reference and input builder live on the scoring server;
editing this copy changes nothing except your own understanding.
"""

import jax, jax.numpy as jnp
import numpy as np

RES = 32
CH = 4
PS = 3
PD = 108  # must equal CH * PS**3
B = 4
S = 2048
DIN = 64


def setup_inputs(seed: int = 0) -> dict:
    key = jax.random.key(seed)
    ks = jax.random.split(key, 12)
    positions = jax.random.uniform(ks[0], (B, S, 3), dtype=jnp.float32)
    x = jax.random.normal(ks[1], (B, S, DIN), dtype=jnp.float32)
    W1 = jax.random.normal(ks[2], (DIN, PD * 8), dtype=jnp.float32) * 0.02
    b1 = jnp.zeros((PD * 8,), dtype=jnp.float32)
    W2 = jax.random.normal(ks[3], (PD * 8, PD * 4), dtype=jnp.float32) * 0.02
    b2 = jnp.zeros((PD * 4,), dtype=jnp.float32)
    Wf = jax.random.normal(ks[4], (PD * 4, PD), dtype=jnp.float32) * 0.02
    bf = jnp.zeros((PD,), dtype=jnp.float32)
    Wp = jax.random.normal(ks[5], (CH + 1, PD), dtype=jnp.float32) * 0.02
    bp = jnp.zeros((PD,), dtype=jnp.float32)
    return {"positions": positions, "x": x, "W1": W1, "b1": b1, "W2": W2,
            "b2": b2, "Wf": Wf, "bf": bf, "Wp": Wp, "bp": bp}


def reference(positions, x, W1, b1, W2, b2, Wf, bf, Wp, bp):
    # constants (mirror tf.meshgrid default 'xy' indexing)
    r = jnp.arange(PS, dtype=jnp.int32)
    offsets = jnp.stack(jnp.meshgrid(r, r, r), axis=-1).reshape(-1, 3) - (PS // 2)
    ch_idx = jnp.repeat(jnp.arange(CH, dtype=jnp.int32), PS ** 3)[:, None]

    # projection MLP: Dense(PD*8, gelu) -> Dense(PD*4, gelu) -> Dense(PD)
    h = jax.nn.gelu(x @ W1 + b1, approximate=False)
    h = jax.nn.gelu(h @ W2 + b2, approximate=False)
    h = h @ Wf + bf  # [B, S, PD]

    pos = (positions * RES).astype(jnp.int32)[..., None, :]        # [B,S,1,3]
    pos = jnp.repeat(pos, PS ** 3, axis=-2)                         # [B,S,27,3]
    pos = jnp.clip(pos + offsets, 0, RES - 1)
    pos = jnp.repeat(pos, CH, axis=-2)                              # [B,S,108,3]

    n = pos.shape[2]
    bi = jnp.arange(B, dtype=jnp.int32).reshape(-1, 1, 1, 1)
    bi = jnp.broadcast_to(bi, (B, S, n, 1))
    ci = jnp.broadcast_to(ch_idx, (B, S, n, 1))
    indices = jnp.concatenate([bi, pos, ci], axis=-1).reshape(-1, 5)  # [B*S*108, 5]

    features = h.reshape(-1)
    i0, i1, i2, i3, i4 = (indices[:, 0], indices[:, 1], indices[:, 2],
                          indices[:, 3], indices[:, 4])
    grid = jnp.zeros((B, RES, RES, RES, CH), jnp.float32).at[i0, i1, i2, i3, i4].add(features)
    counts = jnp.zeros((B, RES, RES, RES, CH), jnp.float32).at[i0, i1, i2, i3, i4].add(jnp.ones_like(features))

    out = jnp.concatenate([grid, counts[..., 0:1]], axis=-1) @ Wp + bp
    return out

if __name__ == "__main__":
    import jax
    _d = setup_inputs()
    print(jax.jit(kernel)(*tuple(_d.values())))

</pallas_src>

<mosaic_0001>
#map = affine_map<(d0, d1) -> (0, 0)>
#map1 = affine_map<(d0, d1) -> (0, 0, 0)>
module attributes {stable_mosaic.version = 14 : i64} {
  func.func @_scatter_body(%arg0: i32, %arg1: i32, %arg2: memref<2048x128xi32, #tpu.memory_space<hbm>>, %arg3: memref<262144x8xf32, #tpu.memory_space<hbm>>, %arg4: memref<8192x8xf32, #tpu.memory_space<hbm>>, %arg5: memref<2x131072x8xf32, #tpu.memory_space<hbm>>, %arg6: memref<64x128xi32, #tpu.memory_space<vmem>>, %arg7: memref<4096x8xf32, #tpu.memory_space<vmem>>, %arg8: memref<131072x8xf32, #tpu.memory_space<vmem_shared>>) attributes {dimension_semantics = [#tpu.dimension_semantics<core_parallel>, #tpu.dimension_semantics<subcore_parallel>], iteration_bounds = array<i64: 2, 16>, scalar_prefetch = 0 : i64, scratch_operands = 3 : i64, tpu.core_type = #tpu.core_type<sc_vector_subcore>, window_params = [{transform_indices = #map}, {transform_indices = #map}, {transform_indices = #map}, {transform_indices = #map1}]} {
    %mul3A = arith.constant 2 : i32
    %mul3A_0 = arith.muli %arg1, %mul3A : i32
    %add3A = arith.addi %mul3A_0, %arg0 : i32
    %mul3A_1 = arith.constant 64 : i32
    %mul3A_2 = arith.muli %add3A, %mul3A_1 : i32
    "tpu.region"() ({
      %run_scoped3A = tpu.sem_alloc : memref<!tpu.dma_semaphore, #tpu.memory_space<semaphore_mem>>
      %dma_start3A = arith.constant 0 : i32
      %dma_start3A_29 = tpu.memref_slice %arg2[%mul3A_2, %dma_start3A] : memref<2048x128xi32, #tpu.memory_space<hbm>> -> memref<64x128xi32, #tpu.memory_space<hbm>>
      %dma_start3A_30 = arith.constant 0 : i32
      %dma_start3A_31 = tpu.memref_slice %arg2[%mul3A_2, %dma_start3A_30] : memref<2048x128xi32, #tpu.memory_space<hbm>> -> memref<64x128xi32, #tpu.memory_space<hbm>>
      tpu.enqueue_dma source(%dma_start3A_31 : memref<64x128xi32, #tpu.memory_space<hbm>>) target(%arg6 : memref<64x128xi32, #tpu.memory_space<vmem>>) target_semaphore(%run_scoped3A : memref<!tpu.dma_semaphore, #tpu.memory_space<semaphore_mem>>)
      %dma_wait3A = arith.constant 0 : i32
      %dma_wait3A_32 = tpu.memref_slice %arg2[%mul3A_2, %dma_wait3A] : memref<2048x128xi32, #tpu.memory_space<hbm>> -> memref<64x128xi32, #tpu.memory_space<hbm>>
      %dma_wait3A_33 = arith.constant 0 : i32
      %dma_wait3A_34 = tpu.memref_slice %arg2[%mul3A_2, %dma_wait3A_33] : memref<2048x128xi32, #tpu.memory_space<hbm>> -> memref<64x128xi32, #tpu.memory_space<hbm>>
      tpu.wait_dma2 semaphore(%run_scoped3A : memref<!tpu.dma_semaphore, #tpu.memory_space<semaphore_mem>>) src(%dma_wait3A_34 : memref<64x128xi32, #tpu.memory_space<hbm>>) dst(%arg6 : memref<64x128xi32, #tpu.memory_space<vmem>>)
      tpu.yield
    }) : () -> ()
    %mul3A_3 = arith.constant 8192 : i32
    %mul3A_4 = arith.muli %arg1, %mul3A_3 : i32
    "tpu.region"() ({
      %run_scoped3A = tpu.sem_alloc : memref<!tpu.dma_semaphore, #tpu.memory_space<semaphore_mem>>
      %dma_start3A = arith.constant 0 : i32
      %dma_start3A_29 = tpu.memref_slice %arg8[%mul3A_4, %dma_start3A] : memref<131072x8xf32, #tpu.memory_space<vmem_shared>> -> memref<8192x8xf32, #tpu.memory_space<vmem_shared>>
      tpu.enqueue_dma source(%arg4 : memref<8192x8xf32, #tpu.memory_space<hbm>>) target(%dma_start3A_29 : memref<8192x8xf32, #tpu.memory_space<vmem_shared>>) target_semaphore(%run_scoped3A : memref<!tpu.dma_semaphore, #tpu.memory_space<semaphore_mem>>)
      %dma_wait3A = arith.constant 0 : i32
      %dma_wait3A_30 = tpu.memref_slice %arg8[%mul3A_4, %dma_wait3A] : memref<131072x8xf32, #tpu.memory_space<vmem_shared>> -> memref<8192x8xf32, #tpu.memory_space<vmem_shared>>
      tpu.wait_dma2 semaphore(%run_scoped3A : memref<!tpu.dma_semaphore, #tpu.memory_space<semaphore_mem>>) src(%arg4 : memref<8192x8xf32, #tpu.memory_space<hbm>>) dst(%dma_wait3A_30 : memref<8192x8xf32, #tpu.memory_space<vmem_shared>>)
      tpu.yield
    }) : () -> ()
    %barrier3A = arith.constant 0 : index
    tpu.barrier barrier_id(%barrier3A)
    %mul3A_5 = arith.constant 8192 : i32
    %mul3A_6 = arith.muli %add3A, %mul3A_5 : i32
    %add3A_7 = arith.constant 0 : i32
    %add3A_8 = arith.addi %mul3A_6, %add3A_7 : i32
    "tpu.region"() ({
      %run_scoped3A = tpu.sem_alloc : memref<!tpu.dma_semaphore, #tpu.memory_space<semaphore_mem>>
      %dma_start3A = arith.constant 0 : i32
      %dma_start3A_29 = tpu.memref_slice %arg3[%add3A_8, %dma_start3A] : memref<262144x8xf32, #tpu.memory_space<hbm>> -> memref<4096x8xf32, #tpu.memory_space<hbm>>
      %dma_start3A_30 = arith.constant 0 : i32
      %dma_start3A_31 = tpu.memref_slice %arg3[%add3A_8, %dma_start3A_30] : memref<262144x8xf32, #tpu.memory_space<hbm>> -> memref<4096x8xf32, #tpu.memory_space<hbm>>
      tpu.enqueue_dma source(%dma_start3A_31 : memref<4096x8xf32, #tpu.memory_space<hbm>>) target(%arg7 : memref<4096x8xf32, #tpu.memory_space<vmem>>) target_semaphore(%run_scoped3A : memref<!tpu.dma_semaphore, #tpu.memory_space<semaphore_mem>>)
      %dma_wait3A = arith.constant 0 : i32
      %dma_wait3A_32 = tpu.memref_slice %arg3[%add3A_8, %dma_wait3A] : memref<262144x8xf32, #tpu.memory_space<hbm>> -> memref<4096x8xf32, #tpu.memory_space<hbm>>
      %dma_wait3A_33 = arith.constant 0 : i32
      %dma_wait3A_34 = tpu.memref_slice %arg3[%add3A_8, %dma_wait3A_33] : memref<262144x8xf32, #tpu.memory_space<hbm>> -> memref<4096x8xf32, #tpu.memory_space<hbm>>
      tpu.wait_dma2 semaphore(%run_scoped3A : memref<!tpu.dma_semaphore, #tpu.memory_space<semaphore_mem>>) src(%dma_wait3A_34 : memref<4096x8xf32, #tpu.memory_space<hbm>>) dst(%arg7 : memref<4096x8xf32, #tpu.memory_space<vmem>>)
      tpu.yield
    }) : () -> ()
    %scan3A = arith.constant 0 : i32
    %scan3A_9 = arith.constant 0 : i32
    %scan3A_10 = arith.constant 32 : i32
    %scan3A_11 = arith.addi %scan3A_9, %scan3A_10 : i32
    %scan3A_12 = arith.constant 1 : i32
    scf.for %scan3A_29 = %scan3A_9 to %scan3A_11 step %scan3A_12  : i32 {
      %mul3A_30 = arith.constant 128 : i32
      %mul3A_31 = arith.muli %scan3A_29, %mul3A_30 : i32
      %add3A_32 = arith.constant 0 : i32
      %add3A_33 = arith.addi %add3A_32, %scan3A_29 : i32
      "tpu.region"() ({
        %run_scoped3A = tpu.sem_alloc : memref<!tpu.dma_semaphore, #tpu.memory_space<semaphore_mem>>
        %dma_start3A = arith.constant 0 : i32
        %dma_start3A_34 = tpu.memref_slice %arg7[%mul3A_31, %dma_start3A] : memref<4096x8xf32, #tpu.memory_space<vmem>> -> memref<128x8xf32, #tpu.memory_space<vmem>>
        %dma_start3A_35 = arith.constant 0 : i32
        %dma_start3A_36 = tpu.memref_slice %arg6[%add3A_33, %dma_start3A_35] : memref<64x128xi32, #tpu.memory_space<vmem>> -> memref<1x128xi32, #tpu.memory_space<vmem>>
        %dma_start3A_37 = tpu.memref_squeeze %dma_start3A_36 : memref<1x128xi32, #tpu.memory_space<vmem>> -> memref<128xi32, #tpu.memory_space<vmem>>
        %dma_start3A_38 = arith.constant 0 : i32
        %dma_start3A_39 = arith.constant 0 : i32
        %dma_start3A_40 = tpu.memref_slice %arg8[%dma_start3A_38, %dma_start3A_39] : memref<131072x8xf32, #tpu.memory_space<vmem_shared>> -> memref<131072x8xf32, #tpu.memory_space<vmem_shared>>
        tpu.enqueue_indirect_dma source(%dma_start3A_34 : memref<128x8xf32, #tpu.memory_space<vmem>>) target(%dma_start3A_40 : memref<131072x8xf32, #tpu.memory_space<vmem_shared>>) offsets(%dma_start3A_37 : memref<128xi32, #tpu.memory_space<vmem>>) semaphore(%run_scoped3A : memref<!tpu.dma_semaphore, #tpu.memory_space<semaphore_mem>>) {add = true}
        %dma_wait3A = arith.constant 0 : i32
        %dma_wait3A_41 = tpu.memref_slice %arg7[%mul3A_31, %dma_wait3A] : memref<4096x8xf32, #tpu.memory_space<vmem>> -> memref<128x8xf32, #tpu.memory_space<vmem>>
        %dma_wait3A_42 = arith.constant 0 : i32
        %dma_wait3A_43 = tpu.memref_slice %arg6[%add3A_33, %dma_wait3A_42] : memref<64x128xi32, #tpu.memory_space<vmem>> -> memref<1x128xi32, #tpu.memory_space<vmem>>
        %dma_wait3A_44 = tpu.memref_squeeze %dma_wait3A_43 : memref<1x128xi32, #tpu.memory_space<vmem>> -> memref<128xi32, #tpu.memory_space<vmem>>
        %dma_wait3A_45 = arith.constant 0 : i32
        %dma_wait3A_46 = arith.constant 0 : i32
        %dma_wait3A_47 = tpu.memref_slice %arg8[%dma_wait3A_45, %dma_wait3A_46] : memref<131072x8xf32, #tpu.memory_space<vmem_shared>> -> memref<131072x8xf32, #tpu.memory_space<vmem_shared>>
        tpu.wait_indirect_dma semaphore(%run_scoped3A : memref<!tpu.dma_semaphore, #tpu.memory_space<semaphore_mem>>) src(%dma_wait3A_41 : memref<128x8xf32, #tpu.memory_space<vmem>>) dst(%dma_wait3A_47 : memref<131072x8xf32, #tpu.memory_space<vmem_shared>>)
        tpu.yield
      }) : () -> ()
    }
    %scan3A_13 = arith.constant 32 : i32
    %mul3A_14 = arith.constant 8192 : i32
    %mul3A_15 = arith.muli %add3A, %mul3A_14 : i32
    %add3A_16 = arith.constant 4096 : i32
    %add3A_17 = arith.addi %mul3A_15, %add3A_16 : i32
    "tpu.region"() ({
      %run_scoped3A = tpu.sem_alloc : memref<!tpu.dma_semaphore, #tpu.memory_space<semaphore_mem>>
      %dma_start3A = arith.constant 0 : i32
      %dma_start3A_29 = tpu.memref_slice %arg3[%add3A_17, %dma_start3A] : memref<262144x8xf32, #tpu.memory_space<hbm>> -> memref<4096x8xf32, #tpu.memory_space<hbm>>
      %dma_start3A_30 = arith.constant 0 : i32
      %dma_start3A_31 = tpu.memref_slice %arg3[%add3A_17, %dma_start3A_30] : memref<262144x8xf32, #tpu.memory_space<hbm>> -> memref<4096x8xf32, #tpu.memory_space<hbm>>
      tpu.enqueue_dma source(%dma_start3A_31 : memref<4096x8xf32, #tpu.memory_space<hbm>>) target(%arg7 : memref<4096x8xf32, #tpu.memory_space<vmem>>) target_semaphore(%run_scoped3A : memref<!tpu.dma_semaphore, #tpu.memory_space<semaphore_mem>>)
      %dma_wait3A = arith.constant 0 : i32
      %dma_wait3A_32 = tpu.memref_slice %arg3[%add3A_17, %dma_wait3A] : memref<262144x8xf32, #tpu.memory_space<hbm>> -> memref<4096x8xf32, #tpu.memory_space<hbm>>
      %dma_wait3A_33 = arith.constant 0 : i32
      %dma_wait3A_34 = tpu.memref_slice %arg3[%add3A_17, %dma_wait3A_33] : memref<262144x8xf32, #tpu.memory_space<hbm>> -> memref<4096x8xf32, #tpu.memory_space<hbm>>
      tpu.wait_dma2 semaphore(%run_scoped3A : memref<!tpu.dma_semaphore, #tpu.memory_space<semaphore_mem>>) src(%dma_wait3A_34 : memref<4096x8xf32, #tpu.memory_space<hbm>>) dst(%arg7 : memref<4096x8xf32, #tpu.memory_space<vmem>>)
      tpu.yield
    }) : () -> ()
    %scan3A_18 = arith.constant 0 : i32
    %scan3A_19 = arith.constant 0 : i32
    %scan3A_20 = arith.constant 32 : i32
    %scan3A_21 = arith.addi %scan3A_19, %scan3A_20 : i32
    %scan3A_22 = arith.constant 1 : i32
    scf.for %scan3A_29 = %scan3A_19 to %scan3A_21 step %scan3A_22  : i32 {
      %mul3A_30 = arith.constant 128 : i32
      %mul3A_31 = arith.muli %scan3A_29, %mul3A_30 : i32
      %add3A_32 = arith.constant 32 : i32
      %add3A_33 = arith.addi %add3A_32, %scan3A_29 : i32
      "tpu.region"() ({
        %run_scoped3A = tpu.sem_alloc : memref<!tpu.dma_semaphore, #tpu.memory_space<semaphore_mem>>
        %dma_start3A = arith.constant 0 : i32
        %dma_start3A_34 = tpu.memref_slice %arg7[%mul3A_31, %dma_start3A] : memref<4096x8xf32, #tpu.memory_space<vmem>> -> memref<128x8xf32, #tpu.memory_space<vmem>>
        %dma_start3A_35 = arith.constant 0 : i32
        %dma_start3A_36 = tpu.memref_slice %arg6[%add3A_33, %dma_start3A_35] : memref<64x128xi32, #tpu.memory_space<vmem>> -> memref<1x128xi32, #tpu.memory_space<vmem>>
        %dma_start3A_37 = tpu.memref_squeeze %dma_start3A_36 : memref<1x128xi32, #tpu.memory_space<vmem>> -> memref<128xi32, #tpu.memory_space<vmem>>
        %dma_start3A_38 = arith.constant 0 : i32
        %dma_start3A_39 = arith.constant 0 : i32
        %dma_start3A_40 = tpu.memref_slice %arg8[%dma_start3A_38, %dma_start3A_39] : memref<131072x8xf32, #tpu.memory_space<vmem_shared>> -> memref<131072x8xf32, #tpu.memory_space<vmem_shared>>
        tpu.enqueue_indirect_dma source(%dma_start3A_34 : memref<128x8xf32, #tpu.memory_space<vmem>>) target(%dma_start3A_40 : memref<131072x8xf32, #tpu.memory_space<vmem_shared>>) offsets(%dma_start3A_37 : memref<128xi32, #tpu.memory_space<vmem>>) semaphore(%run_scoped3A : memref<!tpu.dma_semaphore, #tpu.memory_space<semaphore_mem>>) {add = true}
        %dma_wait3A = arith.constant 0 : i32
        %dma_wait3A_41 = tpu.memref_slice %arg7[%mul3A_31, %dma_wait3A] : memref<4096x8xf32, #tpu.memory_space<vmem>> -> memref<128x8xf32, #tpu.memory_space<vmem>>
        %dma_wait3A_42 = arith.constant 0 : i32
        %dma_wait3A_43 = tpu.memref_slice %arg6[%add3A_33, %dma_wait3A_42] : memref<64x128xi32, #tpu.memory_space<vmem>> -> memref<1x128xi32, #tpu.memory_space<vmem>>
        %dma_wait3A_44 = tpu.memref_squeeze %dma_wait3A_43 : memref<1x128xi32, #tpu.memory_space<vmem>> -> memref<128xi32, #tpu.memory_space<vmem>>
        %dma_wait3A_45 = arith.constant 0 : i32
        %dma_wait3A_46 = arith.constant 0 : i32
        %dma_wait3A_47 = tpu.memref_slice %arg8[%dma_wait3A_45, %dma_wait3A_46] : memref<131072x8xf32, #tpu.memory_space<vmem_shared>> -> memref<131072x8xf32, #tpu.memory_space<vmem_shared>>
        tpu.wait_indirect_dma semaphore(%run_scoped3A : memref<!tpu.dma_semaphore, #tpu.memory_space<semaphore_mem>>) src(%dma_wait3A_41 : memref<128x8xf32, #tpu.memory_space<vmem>>) dst(%dma_wait3A_47 : memref<131072x8xf32, #tpu.memory_space<vmem_shared>>)
        tpu.yield
      }) : () -> ()
    }
    %scan3A_23 = arith.constant 32 : i32
    %barrier3A_24 = arith.constant 0 : index
    tpu.barrier barrier_id(%barrier3A_24)
    %mul3A_25 = arith.constant 8192 : i32
    %mul3A_26 = arith.muli %arg1, %mul3A_25 : i32
    %mul3A_27 = arith.constant 8192 : i32
    %mul3A_28 = arith.muli %arg1, %mul3A_27 : i32
    "tpu.region"() ({
      %run_scoped3A = tpu.sem_alloc : memref<!tpu.dma_semaphore, #tpu.memory_space<semaphore_mem>>
      %dma_start3A = arith.constant 0 : i32
      %dma_start3A_29 = arith.constant 0 : i32
      %dma_start3A_30 = tpu.memref_slice %arg5[%arg0, %dma_start3A, %dma_start3A_29] : memref<2x131072x8xf32, #tpu.memory_space<hbm>> -> memref<1x131072x8xf32, #tpu.memory_space<hbm>>
      %dma_start3A_31 = tpu.memref_squeeze %dma_start3A_30 : memref<1x131072x8xf32, #tpu.memory_space<hbm>> -> memref<131072x8xf32, #tpu.memory_space<hbm>>
      %dma_start3A_32 = arith.constant 0 : i32
      %dma_start3A_33 = tpu.memref_slice %dma_start3A_31[%mul3A_28, %dma_start3A_32] : memref<131072x8xf32, #tpu.memory_space<hbm>> -> memref<8192x8xf32, #tpu.memory_space<hbm>>
      %dma_start3A_34 = arith.constant 0 : i32
      %dma_start3A_35 = tpu.memref_slice %arg8[%mul3A_26, %dma_start3A_34] : memref<131072x8xf32, #tpu.memory_space<vmem_shared>> -> memref<8192x8xf32, #tpu.memory_space<vmem_shared>>
      tpu.enqueue_dma source(%dma_start3A_35 : memref<8192x8xf32, #tpu.memory_space<vmem_shared>>) target(%dma_start3A_33 : memref<8192x8xf32, #tpu.memory_space<hbm>>) target_semaphore(%run_scoped3A : memref<!tpu.dma_semaphore, #tpu.memory_space<semaphore_mem>>)
      %dma_wait3A = arith.constant 0 : i32
      %dma_wait3A_36 = arith.constant 0 : i32
      %dma_wait3A_37 = tpu.memref_slice %arg5[%arg0, %dma_wait3A, %dma_wait3A_36] : memref<2x131072x8xf32, #tpu.memory_space<hbm>> -> memref<1x131072x8xf32, #tpu.memory_space<hbm>>
      %dma_wait3A_38 = tpu.memref_squeeze %dma_wait3A_37 : memref<1x131072x8xf32, #tpu.memory_space<hbm>> -> memref<131072x8xf32, #tpu.memory_space<hbm>>
      %dma_wait3A_39 = arith.constant 0 : i32
      %dma_wait3A_40 = tpu.memref_slice %dma_wait3A_38[%mul3A_28, %dma_wait3A_39] : memref<131072x8xf32, #tpu.memory_space<hbm>> -> memref<8192x8xf32, #tpu.memory_space<hbm>>
      %dma_wait3A_41 = arith.constant 0 : i32
      %dma_wait3A_42 = tpu.memref_slice %arg8[%mul3A_26, %dma_wait3A_41] : memref<131072x8xf32, #tpu.memory_space<vmem_shared>> -> memref<8192x8xf32, #tpu.memory_space<vmem_shared>>
      tpu.wait_dma2 semaphore(%run_scoped3A : memref<!tpu.dma_semaphore, #tpu.memory_space<semaphore_mem>>) src(%dma_wait3A_42 : memref<8192x8xf32, #tpu.memory_space<vmem_shared>>) dst(%dma_wait3A_40 : memref<8192x8xf32, #tpu.memory_space<hbm>>)
      tpu.yield
    }) : () -> ()
    return
  }
}

module attributes {stable_mosaic.version = 14 : i64} {
  func.func @_mlp_body(%arg0: i32, %arg1: memref<512x3xf32, #tpu.memory_space<vmem>>, %arg2: memref<512x64xf32, #tpu.memory_space<vmem>>, %arg3: memref<64x864xf32, #tpu.memory_space<vmem>>, %arg4: memref<1x864xf32, #tpu.memory_space<vmem>>, %arg5: memref<864x432xf32, #tpu.memory_space<vmem>>, %arg6: memref<1x432xf32, #tpu.memory_space<vmem>>, %arg7: memref<432x256xf32, #tpu.memory_space<vmem>>, %arg8: memref<1x256xf32, #tpu.memory_space<vmem>>, %arg9: memref<512x256xf32, #tpu.memory_space<vmem>>, %arg10: memref<512x32xi32, #tpu.memory_space<vmem>>) attributes {dimension_semantics = [#tpu.dimension_semantics<parallel>], iteration_bounds = array<i64: 16>, scalar_prefetch = 0 : i64, scratch_operands = 0 : i64, tpu.core_type = #tpu.core_type<tc>, window_params = [{transform_indices = @transform_0, window_bounds = array<i64: 512, 3>}, {transform_indices = @transform_1, window_bounds = array<i64: 512, 64>}, {pipeline_mode = #tpu.pipeline_mode<synchronous>, transform_indices = @transform_2, window_bounds = array<i64: 64, 864>}, {pipeline_mode = #tpu.pipeline_mode<synchronous>, transform_indices = @transform_3, window_bounds = array<i64: 1, 864>}, {pipeline_mode = #tpu.pipeline_mode<synchronous>, transform_indices = @transform_4, window_bounds = array<i64: 864, 432>}, {pipeline_mode = #tpu.pipeline_mode<synchronous>, transform_indices = @transform_5, window_bounds = array<i64: 1, 432>}, {pipeline_mode = #tpu.pipeline_mode<synchronous>, transform_indices = @transform_6, window_bounds = array<i64: 432, 256>}, {pipeline_mode = #tpu.pipeline_mode<synchronous>, transform_indices = @transform_7, window_bounds = array<i64: 1, 256>}, {transform_indices = @transform_8, window_bounds = array<i64: 512, 256>}, {transform_indices = @transform_9, window_bounds = array<i64: 512, 32>}]} {
    %get3A = arith.constant 0 : index
    %get3A_0 = arith.constant 0 : index
    %get3A_1 = vector.load %arg2[%get3A, %get3A_0] : memref<512x64xf32, #tpu.memory_space<vmem>>, vector<512x64xf32>
    %get3A_2 = arith.constant 0 : index
    %get3A_3 = arith.constant 0 : index
    %get3A_4 = vector.load %arg3[%get3A_2, %get3A_3] : memref<64x864xf32, #tpu.memory_space<vmem>>, vector<64x864xf32>
    %dot_general3A = arith.constant dense<0.000000e+00> : vector<512x864xf32>
    %dot_general3A_5 = tpu.matmul %get3A_1, %get3A_4, %dot_general3A {dimension_numbers = #tpu.dot_dimension_numbers<[1], [0], [0], [1], [0, 0, 1, 1], [], []>, transpose_lhs_hint = false} : vector<512x64xf32>, vector<64x864xf32>, vector<512x864xf32> -> vector<512x864xf32>
    %get3A_6 = arith.constant 0 : index
    %get3A_7 = arith.constant 0 : index
    %get3A_8 = vector.load %arg4[%get3A_6, %get3A_7] : memref<1x864xf32, #tpu.memory_space<vmem>>, vector<1x864xf32>
    %add3A = vector.broadcast %get3A_8 : vector<1x864xf32> to vector<512x864xf32>
    %add3A_9 = arith.addf %dot_general3A_5, %add3A : vector<512x864xf32>
    %mul3A = arith.constant 5.000000e-01 : f32
    %mul3A_10 = vector.broadcast %mul3A : f32 to vector<512x864xf32>
    %mul3A_11 = arith.mulf %mul3A_10, %add3A_9 : vector<512x864xf32>
    %mul3A_12 = arith.constant 0.707106769 : f32
    %mul3A_13 = vector.broadcast %mul3A_12 : f32 to vector<512x864xf32>
    %mul3A_14 = arith.mulf %add3A_9, %mul3A_13 : vector<512x864xf32>
    %erf3A = math.erf %mul3A_14 : vector<512x864xf32>
    %add3A_15 = arith.constant 1.000000e+00 : f32
    %add3A_16 = vector.broadcast %add3A_15 : f32 to vector<512x864xf32>
    %add3A_17 = arith.addf %add3A_16, %erf3A : vector<512x864xf32>
    %mul3A_18 = arith.mulf %mul3A_11, %add3A_17 : vector<512x864xf32>
    %get3A_19 = arith.constant 0 : index
    %get3A_20 = arith.constant 0 : index
    %get3A_21 = vector.load %arg5[%get3A_19, %get3A_20] : memref<864x432xf32, #tpu.memory_space<vmem>>, vector<864x432xf32>
    %dot_general3A_22 = arith.constant dense<0.000000e+00> : vector<512x432xf32>
    %dot_general3A_23 = tpu.matmul %mul3A_18, %get3A_21, %dot_general3A_22 {dimension_numbers = #tpu.dot_dimension_numbers<[1], [0], [0], [1], [0, 0, 1, 1], [], []>, transpose_lhs_hint = false} : vector<512x864xf32>, vector<864x432xf32>, vector<512x432xf32> -> vector<512x432xf32>
    %get3A_24 = arith.constant 0 : index
    %get3A_25 = arith.constant 0 : index
    %get3A_26 = vector.load %arg6[%get3A_24, %get3A_25] : memref<1x432xf32, #tpu.memory_space<vmem>>, vector<1x432xf32>
    %add3A_27 = vector.broadcast %get3A_26 : vector<1x432xf32> to vector<512x432xf32>
    %add3A_28 = arith.addf %dot_general3A_23, %add3A_27 : vector<512x432xf32>
    %mul3A_29 = arith.constant 5.000000e-01 : f32
    %mul3A_30 = vector.broadcast %mul3A_29 : f32 to vector<512x432xf32>
    %mul3A_31 = arith.mulf %mul3A_30, %add3A_28 : vector<512x432xf32>
    %mul3A_32 = arith.constant 0.707106769 : f32
    %mul3A_33 = vector.broadcast %mul3A_32 : f32 to vector<512x432xf32>
    %mul3A_34 = arith.mulf %add3A_28, %mul3A_33 : vector<512x432xf32>
    %erf3A_35 = math.erf %mul3A_34 : vector<512x432xf32>
    %add3A_36 = arith.constant 1.000000e+00 : f32
    %add3A_37 = vector.broadcast %add3A_36 : f32 to vector<512x432xf32>
    %add3A_38 = arith.addf %add3A_37, %erf3A_35 : vector<512x432xf32>
    %mul3A_39 = arith.mulf %mul3A_31, %add3A_38 : vector<512x432xf32>
    %get3A_40 = arith.constant 0 : index
    %get3A_41 = arith.constant 0 : index
    %get3A_42 = vector.load %arg7[%get3A_40, %get3A_41] : memref<432x256xf32, #tpu.memory_space<vmem>>, vector<432x256xf32>
    %dot_general3A_43 = arith.constant dense<0.000000e+00> : vector<512x256xf32>
    %dot_general3A_44 = tpu.matmul %mul3A_39, %get3A_42, %dot_general3A_43 {dimension_numbers = #tpu.dot_dimension_numbers<[1], [0], [0], [1], [0, 0, 1, 1], [], []>, transpose_lhs_hint = false} : vector<512x432xf32>, vector<432x256xf32>, vector<512x256xf32> -> vector<512x256xf32>
    %get3A_45 = arith.constant 0 : index
    %get3A_46 = arith.constant 0 : index
    %get3A_47 = vector.load %arg8[%get3A_45, %get3A_46] : memref<1x256xf32, #tpu.memory_space<vmem>>, vector<1x256xf32>
    %add3A_48 = vector.broadcast %get3A_47 : vector<1x256xf32> to vector<512x256xf32>
    %add3A_49 = arith.addf %dot_general3A_44, %add3A_48 : vector<512x256xf32>
    %swap3A = arith.constant 0 : index
    %swap3A_50 = arith.constant 0 : index
    %swap3A_51 = vector.load %arg9[%swap3A, %swap3A_50] : memref<512x256xf32, #tpu.memory_space<vmem>>, vector<512x256xf32>
    tpu.vector_store %arg9[%swap3A, %swap3A_50], %add3A_49 {strides = array<i32>} : memref<512x256xf32, #tpu.memory_space<vmem>>, vector<512x256xf32>,
    %get3A_52 = arith.constant 0 : index
    %get3A_53 = arith.constant 0 : index
    %get3A_54 = vector.load %arg1[%get3A_52, %get3A_53] : memref<512x3xf32, #tpu.memory_space<vmem>>, vector<512x3xf32>
    %mul3A_55 = arith.constant 3.200000e+01 : f32
    %mul3A_56 = vector.broadcast %mul3A_55 : f32 to vector<512x3xf32>
    %mul3A_57 = arith.mulf %get3A_54, %mul3A_56 : vector<512x3xf32>
    %convert_element_type3A = arith.fptosi %mul3A_57 : vector<512x3xf32> to vector<512x3xi32>
    %mul3A_58 = arith.constant 512 : i32
    %mul3A_59 = arith.muli %arg0, %mul3A_58 : i32
    %iota3A = tpu.iota {dimensions = array<i32: 0>} : vector<512x1xi32>
    %add3A_60 = vector.broadcast %mul3A_59 : i32 to vector<512x1xi32>
    %add3A_61 = arith.addi %add3A_60, %iota3A : vector<512x1xi32>
    %jit3A = arith.constant 2048 : i32
    %div3A = vector.broadcast %jit3A : i32 to vector<512x1xi32>
    %div3A_62 = arith.divsi %add3A_61, %div3A : vector<512x1xi32>
    %sign3A = arith.constant 0 : i32
    %sign3A_63 = vector.broadcast %sign3A : i32 to vector<512x1xi32>
    %sign3A_64 = arith.cmpi sgt, %add3A_61, %sign3A_63 : vector<512x1xi32>
    %sign3A_65 = arith.extui %sign3A_64 : vector<512x1xi1> to vector<512x1xi32>
    %sign3A_66 = arith.constant 0 : i32
    %sign3A_67 = vector.broadcast %sign3A_66 : i32 to vector<512x1xi32>
    %sign3A_68 = arith.cmpi slt, %add3A_61, %sign3A_67 : vector<512x1xi32>
    %sign3A_69 = arith.extui %sign3A_68 : vector<512x1xi1> to vector<512x1xi32>
    %sign3A_70 = arith.subi %sign3A_65, %sign3A_69 : vector<512x1xi32>
    %sign3A_71 = arith.constant 0 : i32
    %sign3A_72 = arith.cmpi sgt, %jit3A, %sign3A_71 : i32
    %sign3A_73 = arith.extui %sign3A_72 : i1 to i32
    %sign3A_74 = arith.constant 0 : i32
    %sign3A_75 = arith.cmpi slt, %jit3A, %sign3A_74 : i32
    %sign3A_76 = arith.extui %sign3A_75 : i1 to i32
    %sign3A_77 = arith.subi %sign3A_73, %sign3A_76 : i32
    %ne3A = vector.broadcast %sign3A_77 : i32 to vector<512x1xi32>
    %ne3A_78 = arith.cmpi ne, %sign3A_70, %ne3A : vector<512x1xi32>
    %rem3A = vector.broadcast %jit3A : i32 to vector<512x1xi32>
    %rem3A_79 = arith.remsi %add3A_61, %rem3A : vector<512x1xi32>
    %ne3A_80 = arith.constant 0 : i32
    %ne3A_81 = vector.broadcast %ne3A_80 : i32 to vector<512x1xi32>
    %ne3A_82 = arith.cmpi ne, %rem3A_79, %ne3A_81 : vector<512x1xi32>
    %and3A = arith.andi %ne3A_78, %ne3A_82 : vector<512x1xi1>
    %sub3A = arith.constant 1 : i32
    %sub3A_83 = vector.broadcast %sub3A : i32 to vector<512x1xi32>
    %sub3A_84 = arith.subi %div3A_62, %sub3A_83 : vector<512x1xi32>
    %select_n3A = arith.select %and3A, %sub3A_84, %div3A_62 : vector<512x1xi1>, vector<512x1xi32>
    %iota3A_85 = tpu.iota {dimensions = array<i32: 1>} : vector<1x32xi32>
    %jit3A_86 = arith.constant 3 : i32
    %div3A_87 = vector.broadcast %jit3A_86 : i32 to vector<1x32xi32>
    %div3A_88 = arith.divsi %iota3A_85, %div3A_87 : vector<1x32xi32>
    %sign3A_89 = arith.constant 0 : i32
    %sign3A_90 = vector.broadcast %sign3A_89 : i32 to vector<1x32xi32>
    %sign3A_91 = arith.cmpi sgt, %iota3A_85, %sign3A_90 : vector<1x32xi32>
    %sign3A_92 = arith.extui %sign3A_91 : vector<1x32xi1> to vector<1x32xi32>
    %sign3A_93 = arith.constant 0 : i32
    %sign3A_94 = vector.broadcast %sign3A_93 : i32 to vector<1x32xi32>
    %sign3A_95 = arith.cmpi slt, %iota3A_85, %sign3A_94 : vector<1x32xi32>
    %sign3A_96 = arith.extui %sign3A_95 : vector<1x32xi1> to vector<1x32xi32>
    %sign3A_97 = arith.subi %sign3A_92, %sign3A_96 : vector<1x32xi32>
    %sign3A_98 = arith.constant 0 : i32
    %sign3A_99 = arith.cmpi sgt, %jit3A_86, %sign3A_98 : i32
    %sign3A_100 = arith.extui %sign3A_99 : i1 to i32
    %sign3A_101 = arith.constant 0 : i32
    %sign3A_102 = arith.cmpi slt, %jit3A_86, %sign3A_101 : i32
    %sign3A_103 = arith.extui %sign3A_102 : i1 to i32
    %sign3A_104 = arith.subi %sign3A_100, %sign3A_103 : i32
    %ne3A_105 = vector.broadcast %sign3A_104 : i32 to vector<1x32xi32>
    %ne3A_106 = arith.cmpi ne, %sign3A_97, %ne3A_105 : vector<1x32xi32>
    %rem3A_107 = vector.broadcast %jit3A_86 : i32 to vector<1x32xi32>
    %rem3A_108 = arith.remsi %iota3A_85, %rem3A_107 : vector<1x32xi32>
    %ne3A_109 = arith.constant 0 : i32
    %ne3A_110 = vector.broadcast %ne3A_109 : i32 to vector<1x32xi32>
    %ne3A_111 = arith.cmpi ne, %rem3A_108, %ne3A_110 : vector<1x32xi32>
    %and3A_112 = arith.andi %ne3A_106, %ne3A_111 : vector<1x32xi1>
    %sub3A_113 = arith.constant 1 : i32
    %sub3A_114 = vector.broadcast %sub3A_113 : i32 to vector<1x32xi32>
    %sub3A_115 = arith.subi %div3A_88, %sub3A_114 : vector<1x32xi32>
    %select_n3A_116 = arith.select %and3A_112, %sub3A_115, %div3A_88 : vector<1x32xi1>, vector<1x32xi32>
    %jit3A_117 = arith.constant 3 : i32
    %eq3A = arith.constant 0 : i32
    %eq3A_118 = arith.cmpi eq, %jit3A_117, %eq3A : i32
    %jit3A_119 = arith.constant 1 : i32
    %select_n3A_120 = arith.select %eq3A_118, %jit3A_119, %jit3A_117 : i32
    %rem3A_121 = vector.broadcast %select_n3A_120 : i32 to vector<1x32xi32>
    %rem3A_122 = arith.remsi %select_n3A_116, %rem3A_121 : vector<1x32xi32>
    %ne3A_123 = arith.constant 0 : i32
    %ne3A_124 = vector.broadcast %ne3A_123 : i32 to vector<1x32xi32>
    %ne3A_125 = arith.cmpi ne, %rem3A_122, %ne3A_124 : vector<1x32xi32>
    %lt3A = arith.constant 0 : i32
    %lt3A_126 = vector.broadcast %lt3A : i32 to vector<1x32xi32>
    %lt3A_127 = arith.cmpi slt, %rem3A_122, %lt3A_126 : vector<1x32xi32>
    %lt3A_128 = arith.constant 0 : i32
    %lt3A_129 = arith.cmpi slt, %select_n3A_120, %lt3A_128 : i32
    %ne3A_130 = vector.broadcast %lt3A_129 : i1 to vector<1x32xi1>
    %ne3A_131 = vector.broadcast %ne3A_130 : vector<1x32xi1> to vector<1x32xi1>
    %ne3A_132 = arith.xori %lt3A_127, %ne3A_131 : vector<1x32xi1>
    %and3A_133 = arith.andi %ne3A_132, %ne3A_125 : vector<1x32xi1>
    %add3A_134 = vector.broadcast %select_n3A_120 : i32 to vector<1x32xi32>
    %add3A_135 = arith.addi %rem3A_122, %add3A_134 : vector<1x32xi32>
    %select_n3A_136 = arith.select %and3A_133, %add3A_135, %rem3A_122 : vector<1x32xi1>, vector<1x32xi32>
    %sub3A_137 = arith.constant 1 : i32
    %sub3A_138 = vector.broadcast %sub3A_137 : i32 to vector<1x32xi32>
    %sub3A_139 = arith.subi %select_n3A_136, %sub3A_138 : vector<1x32xi32>
    %jit3A_140 = arith.constant 9 : i32
    %div3A_141 = vector.broadcast %jit3A_140 : i32 to vector<1x32xi32>
    %div3A_142 = arith.divsi %iota3A_85, %div3A_141 : vector<1x32xi32>
    %sign3A_143 = arith.constant 0 : i32
    %sign3A_144 = vector.broadcast %sign3A_143 : i32 to vector<1x32xi32>
    %sign3A_145 = arith.cmpi sgt, %iota3A_85, %sign3A_144 : vector<1x32xi32>
    %sign3A_146 = arith.extui %sign3A_145 : vector<1x32xi1> to vector<1x32xi32>
    %sign3A_147 = arith.constant 0 : i32
    %sign3A_148 = vector.broadcast %sign3A_147 : i32 to vector<1x32xi32>
    %sign3A_149 = arith.cmpi slt, %iota3A_85, %sign3A_148 : vector<1x32xi32>
    %sign3A_150 = arith.extui %sign3A_149 : vector<1x32xi1> to vector<1x32xi32>
    %sign3A_151 = arith.subi %sign3A_146, %sign3A_150 : vector<1x32xi32>
    %sign3A_152 = arith.constant 0 : i32
    %sign3A_153 = arith.cmpi sgt, %jit3A_140, %sign3A_152 : i32
    %sign3A_154 = arith.extui %sign3A_153 : i1 to i32
    %sign3A_155 = arith.constant 0 : i32
    %sign3A_156 = arith.cmpi slt, %jit3A_140, %sign3A_155 : i32
    %sign3A_157 = arith.extui %sign3A_156 : i1 to i32
    %sign3A_158 = arith.subi %sign3A_154, %sign3A_157 : i32
    %ne3A_159 = vector.broadcast %sign3A_158 : i32 to vector<1x32xi32>
    %ne3A_160 = arith.cmpi ne, %sign3A_151, %ne3A_159 : vector<1x32xi32>
    %rem3A_161 = vector.broadcast %jit3A_140 : i32 to vector<1x32xi32>
    %rem3A_162 = arith.remsi %iota3A_85, %rem3A_161 : vector<1x32xi32>
    %ne3A_163 = arith.constant 0 : i32
    %ne3A_164 = vector.broadcast %ne3A_163 : i32 to vector<1x32xi32>
    %ne3A_165 = arith.cmpi ne, %rem3A_162, %ne3A_164 : vector<1x32xi32>
    %and3A_166 = arith.andi %ne3A_160, %ne3A_165 : vector<1x32xi1>
    %sub3A_167 = arith.constant 1 : i32
    %sub3A_168 = vector.broadcast %sub3A_167 : i32 to vector<1x32xi32>
    %sub3A_169 = arith.subi %div3A_142, %sub3A_168 : vector<1x32xi32>
    %select_n3A_170 = arith.select %and3A_166, %sub3A_169, %div3A_142 : vector<1x32xi1>, vector<1x32xi32>
    %sub3A_171 = arith.constant 1 : i32
    %sub3A_172 = vector.broadcast %sub3A_171 : i32 to vector<1x32xi32>
    %sub3A_173 = arith.subi %select_n3A_170, %sub3A_172 : vector<1x32xi32>
    %jit3A_174 = arith.constant 3 : i32
    %eq3A_175 = arith.constant 0 : i32
    %eq3A_176 = arith.cmpi eq, %jit3A_174, %eq3A_175 : i32
    %jit3A_177 = arith.constant 1 : i32
    %select_n3A_178 = arith.select %eq3A_176, %jit3A_177, %jit3A_174 : i32
    %rem3A_179 = vector.broadcast %select_n3A_178 : i32 to vector<1x32xi32>
    %rem3A_180 = arith.remsi %iota3A_85, %rem3A_179 : vector<1x32xi32>
    %ne3A_181 = arith.constant 0 : i32
    %ne3A_182 = vector.broadcast %ne3A_181 : i32 to vector<1x32xi32>
    %ne3A_183 = arith.cmpi ne, %rem3A_180, %ne3A_182 : vector<1x32xi32>
    %lt3A_184 = arith.constant 0 : i32
    %lt3A_185 = vector.broadcast %lt3A_184 : i32 to vector<1x32xi32>
    %lt3A_186 = arith.cmpi slt, %rem3A_180, %lt3A_185 : vector<1x32xi32>
    %lt3A_187 = arith.constant 0 : i32
    %lt3A_188 = arith.cmpi slt, %select_n3A_178, %lt3A_187 : i32
    %ne3A_189 = vector.broadcast %lt3A_188 : i1 to vector<1x32xi1>
    %ne3A_190 = vector.broadcast %ne3A_189 : vector<1x32xi1> to vector<1x32xi1>
    %ne3A_191 = arith.xori %lt3A_186, %ne3A_190 : vector<1x32xi1>
    %and3A_192 = arith.andi %ne3A_191, %ne3A_183 : vector<1x32xi1>
    %add3A_193 = vector.broadcast %select_n3A_178 : i32 to vector<1x32xi32>
    %add3A_194 = arith.addi %rem3A_180, %add3A_193 : vector<1x32xi32>
    %select_n3A_195 = arith.select %and3A_192, %add3A_194, %rem3A_180 : vector<1x32xi1>, vector<1x32xi32>
    %sub3A_196 = arith.constant 1 : i32
    %sub3A_197 = vector.broadcast %sub3A_196 : i32 to vector<1x32xi32>
    %sub3A_198 = arith.subi %select_n3A_195, %sub3A_197 : vector<1x32xi32>
    %slice3A = vector.extract_strided_slice %convert_element_type3A {offsets = [0, 0], sizes = [512, 1], strides = [1, 1]} : vector<512x3xi32> to vector<512x1xi32>
    %add3A_199 = vector.broadcast %slice3A : vector<512x1xi32> to vector<512x32xi32>
    %add3A_200 = vector.broadcast %sub3A_139 : vector<1x32xi32> to vector<512x32xi32>
    %add3A_201 = arith.addi %add3A_199, %add3A_200 : vector<512x32xi32>
    %jit3A_202 = arith.constant 0 : i32
    %jit3A_203 = arith.constant 31 : i32
    %max3A = vector.broadcast %jit3A_202 : i32 to vector<512x32xi32>
    %max3A_204 = arith.maxsi %max3A, %add3A_201 : vector<512x32xi32>
    %min3A = vector.broadcast %jit3A_203 : i32 to vector<512x32xi32>
    %min3A_205 = arith.minsi %min3A, %max3A_204 : vector<512x32xi32>
    %slice3A_206 = vector.extract_strided_slice %convert_element_type3A {offsets = [0, 1], sizes = [512, 1], strides = [1, 1]} : vector<512x3xi32> to vector<512x1xi32>
    %add3A_207 = vector.broadcast %slice3A_206 : vector<512x1xi32> to vector<512x32xi32>
    %add3A_208 = vector.broadcast %sub3A_173 : vector<1x32xi32> to vector<512x32xi32>
    %add3A_209 = arith.addi %add3A_207, %add3A_208 : vector<512x32xi32>
    %jit3A_210 = arith.constant 0 : i32
    %jit3A_211 = arith.constant 31 : i32
    %max3A_212 = vector.broadcast %jit3A_210 : i32 to vector<512x32xi32>
    %max3A_213 = arith.maxsi %max3A_212, %add3A_209 : vector<512x32xi32>
    %min3A_214 = vector.broadcast %jit3A_211 : i32 to vector<512x32xi32>
    %min3A_215 = arith.minsi %min3A_214, %max3A_213 : vector<512x32xi32>
    %slice3A_216 = vector.extract_strided_slice %convert_element_type3A {offsets = [0, 2], sizes = [512, 1], strides = [1, 1]} : vector<512x3xi32> to vector<512x1xi32>
    %add3A_217 = vector.broadcast %slice3A_216 : vector<512x1xi32> to vector<512x32xi32>
    %add3A_218 = vector.broadcast %sub3A_198 : vector<1x32xi32> to vector<512x32xi32>
    %add3A_219 = arith.addi %add3A_217, %add3A_218 : vector<512x32xi32>
    %jit3A_220 = arith.constant 0 : i32
    %jit3A_221 = arith.constant 31 : i32
    %max3A_222 = vector.broadcast %jit3A_220 : i32 to vector<512x32xi32>
    %max3A_223 = arith.maxsi %max3A_222, %add3A_219 : vector<512x32xi32>
    %min3A_224 = vector.broadcast %jit3A_221 : i32 to vector<512x32xi32>
    %min3A_225 = arith.minsi %min3A_224, %max3A_223 : vector<512x32xi32>
    %mul3A_226 = arith.constant 32 : i32
    %mul3A_227 = vector.broadcast %mul3A_226 : i32 to vector<512x1xi32>
    %mul3A_228 = arith.muli %select_n3A, %mul3A_227 : vector<512x1xi32>
    %add3A_229 = vector.broadcast %mul3A_228 : vector<512x1xi32> to vector<512x32xi32>
    %add3A_230 = arith.addi %add3A_229, %min3A_205 : vector<512x32xi32>
    %mul3A_231 = arith.constant 32 : i32
    %mul3A_232 = vector.broadcast %mul3A_231 : i32 to vector<512x32xi32>
    %mul3A_233 = arith.muli %add3A_230, %mul3A_232 : vector<512x32xi32>
    %add3A_234 = arith.addi %mul3A_233, %min3A_215 : vector<512x32xi32>
    %mul3A_235 = arith.constant 32 : i32
    %mul3A_236 = vector.broadcast %mul3A_235 : i32 to vector<512x32xi32>
    %mul3A_237 = arith.muli %add3A_234, %mul3A_236 : vector<512x32xi32>
    %add3A_238 = arith.addi %mul3A_237, %min3A_225 : vector<512x32xi32>
    %lt3A_239 = arith.constant 27 : i32
    %lt3A_240 = vector.broadcast %lt3A_239 : i32 to vector<1x32xi32>
    %lt3A_241 = arith.cmpi slt, %iota3A_85, %lt3A_240 : vector<1x32xi32>
    %jit3A_242 = arith.constant 0 : i32
    %broadcast_in_dim3A = vector.shape_cast %lt3A_241 : vector<1x32xi1> to vector<1x32xi1>
    %broadcast_in_dim3A_243 = vector.broadcast %broadcast_in_dim3A : vector<1x32xi1> to vector<512x32xi1>
    %broadcast_in_dim3A_244 = vector.broadcast %jit3A_242 : i32 to vector<512x32xi32>
    %select_n3A_245 = arith.select %broadcast_in_dim3A_243, %add3A_238, %broadcast_in_dim3A_244 : vector<512x32xi1>, vector<512x32xi32>
    %swap3A_246 = arith.constant 0 : index
    %swap3A_247 = arith.constant 0 : index
    %swap3A_248 = vector.load %arg10[%swap3A_246, %swap3A_247] : memref<512x32xi32, #tpu.memory_space<vmem>>, vector<512x32xi32>
    tpu.vector_store %arg10[%swap3A_246, %swap3A_247], %select_n3A_245 {strides = array<i32>} : memref<512x32xi32, #tpu.memory_space<vmem>>, vector<512x32xi32>,
    return
  }
  func.func @transform_0(%arg0: i32) -> (i32, i32) {
    %c0_i32 = arith.constant 0 : i32
    %c0_i32_0 = arith.constant 0 : i32
    return %arg0, %c0_i32 : i32, i32
  }
  func.func @transform_1(%arg0: i32) -> (i32, i32) {
    %c0_i32 = arith.constant 0 : i32
    %c0_i32_0 = arith.constant 0 : i32
    return %arg0, %c0_i32 : i32, i32
  }
  func.func @transform_2(%arg0: i32) -> (i32, i32) {
    %c0_i32 = arith.constant 0 : i32
    %c0_i32_0 = arith.constant 0 : i32
    %c0_i32_1 = arith.constant 0 : i32
    return %c0_i32, %c0_i32_0 : i32, i32
  }
  func.func @transform_3(%arg0: i32) -> (i32, i32) {
    %c0_i32 = arith.constant 0 : i32
    %c0_i32_0 = arith.constant 0 : i32
    %c0_i32_1 = arith.constant 0 : i32
    return %c0_i32, %c0_i32_0 : i32, i32
  }
  func.func @transform_4(%arg0: i32) -> (i32, i32) {
    %c0_i32 = arith.constant 0 : i32
    %c0_i32_0 = arith.constant 0 : i32
    %c0_i32_1 = arith.constant 0 : i32
    return %c0_i32, %c0_i32_0 : i32, i32
  }
  func.func @transform_5(%arg0: i32) -> (i32, i32) {
    %c0_i32 = arith.constant 0 : i32
    %c0_i32_0 = arith.constant 0 : i32
    %c0_i32_1 = arith.constant 0 : i32
    return %c0_i32, %c0_i32_0 : i32, i32
  }
  func.func @transform_6(%arg0: i32) -> (i32, i32) {
    %c0_i32 = arith.constant 0 : i32
    %c0_i32_0 = arith.constant 0 : i32
    %c0_i32_1 = arith.constant 0 : i32
    return %c0_i32, %c0_i32_0 : i32, i32
  }
  func.func @transform_7(%arg0: i32) -> (i32, i32) {
    %c0_i32 = arith.constant 0 : i32
    %c0_i32_0 = arith.constant 0 : i32
    %c0_i32_1 = arith.constant 0 : i32
    return %c0_i32, %c0_i32_0 : i32, i32
  }
  func.func @transform_8(%arg0: i32) -> (i32, i32) {
    %c0_i32 = arith.constant 0 : i32
    %c0_i32_0 = arith.constant 0 : i32
    return %arg0, %c0_i32 : i32, i32
  }
  func.func @transform_9(%arg0: i32) -> (i32, i32) {
    %c0_i32 = arith.constant 0 : i32
    %c0_i32_0 = arith.constant 0 : i32
    return %arg0, %c0_i32 : i32, i32
  }
}

module attributes {stable_mosaic.version = 14 : i64} {
  func.func @_proj_body(%arg0: i32, %arg1: memref<2x2048x8xf32, #tpu.memory_space<vmem>>, %arg2: memref<8x108xf32, #tpu.memory_space<vmem>>, %arg3: memref<1x108xf32, #tpu.memory_space<vmem>>, %arg4: memref<2048x108xf32, #tpu.memory_space<vmem>>) attributes {dimension_semantics = [#tpu.dimension_semantics<parallel>], iteration_bounds = array<i64: 64>, scalar_prefetch = 0 : i64, scratch_operands = 0 : i64, tpu.core_type = #tpu.core_type<tc>, window_params = [{transform_indices = @transform_0, window_bounds = array<i64: 2, 2048, 8>}, {pipeline_mode = #tpu.pipeline_mode<synchronous>, transform_indices = @transform_1, window_bounds = array<i64: 8, 108>}, {pipeline_mode = #tpu.pipeline_mode<synchronous>, transform_indices = @transform_2, window_bounds = array<i64: 1, 108>}, {transform_indices = @transform_3, window_bounds = array<i64: 2048, 108>}]} {
    %get3A = arith.constant 0 : index
    %get3A_0 = arith.constant 0 : index
    %get3A_1 = arith.constant 0 : index
    %get3A_2 = vector.load %arg1[%get3A, %get3A_0, %get3A_1] : memref<2x2048x8xf32, #tpu.memory_space<vmem>>, vector<1x2048x8xf32>
    %get3A_3 = vector.shape_cast %get3A_2 : vector<1x2048x8xf32> to vector<2048x8xf32>
    %get3A_4 = arith.constant 1 : index
    %get3A_5 = arith.constant 0 : index
    %get3A_6 = arith.constant 0 : index
    %get3A_7 = vector.load %arg1[%get3A_4, %get3A_5, %get3A_6] : memref<2x2048x8xf32, #tpu.memory_space<vmem>>, vector<1x2048x8xf32>
    %get3A_8 = vector.shape_cast %get3A_7 : vector<1x2048x8xf32> to vector<2048x8xf32>
    %add3A = arith.addf %get3A_3, %get3A_8 : vector<2048x8xf32>
    %get3A_9 = arith.constant 0 : index
    %get3A_10 = arith.constant 0 : index
    %get3A_11 = vector.load %arg2[%get3A_9, %get3A_10] : memref<8x108xf32, #tpu.memory_space<vmem>>, vector<8x108xf32>
    %dot_general3A = arith.constant dense<0.000000e+00> : vector<2048x108xf32>
    %dot_general3A_12 = tpu.matmul %add3A, %get3A_11, %dot_general3A {dimension_numbers = #tpu.dot_dimension_numbers<[1], [0], [0], [1], [0, 0, 1, 1], [], []>, transpose_lhs_hint = false} : vector<2048x8xf32>, vector<8x108xf32>, vector<2048x108xf32> -> vector<2048x108xf32>
    %get3A_13 = arith.constant 0 : index
    %get3A_14 = arith.constant 0 : index
    %get3A_15 = vector.load %arg3[%get3A_13, %get3A_14] : memref<1x108xf32, #tpu.memory_space<vmem>>, vector<1x108xf32>
    %add3A_16 = vector.broadcast %get3A_15 : vector<1x108xf32> to vector<2048x108xf32>
    %add3A_17 = arith.addf %dot_general3A_12, %add3A_16 : vector<2048x108xf32>
    %swap3A = arith.constant 0 : index
    %swap3A_18 = arith.constant 0 : index
    %swap3A_19 = vector.load %arg4[%swap3A, %swap3A_18] : memref<2048x108xf32, #tpu.memory_space<vmem>>, vector<2048x108xf32>
    tpu.vector_store %arg4[%swap3A, %swap3A_18], %add3A_17 {strides = array<i32>} : memref<2048x108xf32, #tpu.memory_space<vmem>>, vector<2048x108xf32>,
    return
  }
  func.func @transform_0(%arg0: i32) -> (i32, i32, i32) {
    %c0_i32 = arith.constant 0 : i32
    %c0_i32_0 = arith.constant 0 : i32
    %c0_i32_1 = arith.constant 0 : i32
    return %c0_i32, %arg0, %c0_i32_0 : i32, i32, i32
  }
  func.func @transform_1(%arg0: i32) -> (i32, i32) {
    %c0_i32 = arith.constant 0 : i32
    %c0_i32_0 = arith.constant 0 : i32
    %c0_i32_1 = arith.constant 0 : i32
    return %c0_i32, %c0_i32_0 : i32, i32
  }
  func.func @transform_2(%arg0: i32) -> (i32, i32) {
    %c0_i32 = arith.constant 0 : i32
    %c0_i32_0 = arith.constant 0 : i32
    %c0_i32_1 = arith.constant 0 : i32
    return %c0_i32, %c0_i32_0 : i32, i32
  }
  func.func @transform_3(%arg0: i32) -> (i32, i32) {
    %c0_i32 = arith.constant 0 : i32
    %c0_i32_0 = arith.constant 0 : i32
    return %arg0, %c0_i32 : i32, i32
  }
}

</mosaic_0001>

<sc_bundles>
// kernel: kernel.5.cloned.1.call-start
scs
__scs_entry_jumppad:
0x0: {  	(pc) =	sbr.rel $0x88, $3  }
0x1: {  	(tag) =	ssettag $0x0;
	lr =	simm.s32 $0x1  }
0x2: {  	[smem:$0x3F97] =	sst lr;
	_ =	strace $0xD0000000  }
0x3: {  	_ = 	snop  }
0x4: {  	_ = 	snop  }
0x5: {  	_ = 	snop  }
0x6: {  	_ = 	snop  }
0x7: {  	_ = 	snop  }
__scs_overlays_trampoline_lowered:
0x8: {  	[smem:$0x3FA6] =	sst s0  }
0x9: {  	[smem:$0x3FA7] =	sst s1  }
0xa: {  	[smem:$0x3FA8] =	sst s2  }
0xb: {  	[smem:$0x3FA9] =	sst s3  }
0xc: {  	[smem:$0x3FAA] =	sst s4  }
0xd: {  	[smem:$0x3FAB] =	sst s5  }
0xe: {  	[smem:$0x3FAC] =	sst s6  }
0xf: {  	[smem:$0x3FAD] =	sst s7  }
0x10: {  	[smem:$0x3FAE] =	sst s8  }
0x11: {  	[smem:$0x3FAF] =	sst s9;
	s0 =	simm.s32 @!p0 $0x0  }
0x12: {  	s1 =	sld [smem:$0x3F95];
	s0 =	simm.s32 @p0 $0x1  }
0x13: {  	[smem:$0x3FB0] =	sst s0;
	s0 =	simm.s32 @!p1 $0x0  }
0x14: {  	s2 =	sld [smem:$0x3F94];
	s0 =	simm.s32 @p1 $0x1  }
0x15: {  	[smem:$0x3FB1] =	sst s0;
	s0 =	simm.s32 @!p2 $0x0  }
0x16: {  	s3 =	sld [smem:$0x3FDB];
	s0 =	simm.s32 @p2 $0x1  }
0x17: {  	s4 =	simm.s32 $0x1BF5;
	[smem:$0x3FB3] =	sst s0  }
0x18: {  	s0 =	sld [smem:$0x3F96];
	_ =	swait.ge [sflag:s4], $0x0  }
0x19: {  	s7 =	sld [smem:$0x3F97]  }
0x1a: {  	s8 =	sadd.s32 $0xFFFFE003, lr  }
0x1b: {  	s9 =	sadd.s32 $0xFFFFFEF7, lr;
	s5 =	simm.s32 $0xFFFFFFFF;
	p2 =	slt.u32 s8, $0xFFFFF086  }
0x1c: {  	p1 =	slt.u32 s9, $0xF7A;
	s5 =	simm.s32 @!p2 $0x0  }
0x1d: {  	s5 =	simm.s32 @p1 $0x1;
	p0 =	seq.s32 s7, s2  }
0x1e: {  	s7 =	smul.u32 @!p0 $0xF7A, s2;
	p2 =	seq.s32 @!p0 s5, $0x0  }
0x1f: {  	s9 =	smul.u32 $0xF7A, s1;
	s8 =	simm.s32 @!p0 $0x1BF5;
	p2 =	por !p2, p0  }
0x20: {  	[sflag:s8] =	ssyncset.s32 @!p0 $0xFFFFF086;
	s6 =	sadd.s32 @!p0 s3, s7;
	s7 =	simm.s32 @!p0 $0x108  }
0x21: {  	s3 =	sadd.s32 s3, s9;
	s6 =	sadd.s32 @!p0 $0x88, s6;
	s7 =	simm.s32 @p2 $0x1082  }
0x22: {  	[simem:s7], [sflag:s8] =	dma.local @!p0 [hbm:s6], $0xF7A  }
0x23: {  	s9 =	sor.u32 $0xD0000000, s2;
	s6 =	simm.s32 $0x108;
	_ =	swait.ge @!p0 [sflag:s8], $0x0  }
0x24: {  	s3 =	sadd.s32 $0x88, s3;
	s6 =	simm.s32 @!p1 $0x1082;
	[sflag:s4] =	ssyncset.s32 $0xFFFFF086  }
0x25: {  	[simem:s6], [sflag:s4] =	dma.local [hbm:s3], $0xF7A  }
0x26: {  	[smem:$0x3F97] =	sst s1;
	(tag) =	ssettag s2;
	_ =	strace s9  }
0x27: {  	s1 =	sld [smem:$0x3FA7]  }
0x28: {  	s2 =	sld [smem:$0x3FA8]  }
0x29: {  	s4 =	sld [smem:$0x3FAA]  }
0x2a: {  	p0 =	seq.s32 s5, $0x0;
	s5 =	sld [smem:$0x3FAB]  }
0x2b: {  	s6 =	sld [smem:$0x3FAC]  }
0x2c: {  	s7 =	sld [smem:$0x3FAD]  }
0x2d: {  	s3 =	simm.s32 $0x108;
	s8 =	sld [smem:$0x3FAE]  }
0x2e: {  	s3 =	simm.s32 @!p0 $0x1082;
	s9 =	sld [smem:$0x3FAF]  }
0x2f: {  	lr =	sadd.s32 s0, s3;
	s0 =	sld [smem:$0x3FA6]  }
0x30: {  	s3 =	sld [smem:$0x3FA9]  }
0x31: {  	[smem:$0x3FB2] =	sst s10  }
0x32: {  	s10 =	sld [smem:$0x3FB0];
	_ =	sdelay $0x3  }
0x33: {  	p0 =	seq.s32 s10, $0x1;
	s10 =	sld [smem:$0x3FB2];
	_ =	sdelay $0x3  }
0x34: {  	[smem:$0x3FB2] =	sst s10  }
0x35: {  	s10 =	sld [smem:$0x3FB1];
	_ =	sdelay $0x3  }
0x36: {  	p1 =	seq.s32 s10, $0x1;
	s10 =	sld [smem:$0x3FB2];
	_ =	sdelay $0x3  }
0x37: {  	[smem:$0x3FB2] =	sst s10  }
0x38: {  	s10 =	sld [smem:$0x3FB3]  }
0x39: {  	_ = 	snop;
	(pc) =	sbr.ind lr, $3  }
0x3a: {  	_ = 	snop  }
0x3b: {  	_ = 	snop  }
0x3c: {  	p2 =	seq.s32 s10, $0x1;
	s10 =	sld [smem:$0x3FB2]  }
0x3d: {  	_ =	shalt  }
0x3e: {  	_ =	shalt  }
0x3f: {  	_ =	shalt  }
0x40: {  	_ =	shalt  }
0x41: {  	_ =	shalt  }
0x42: {  	_ =	shalt  }
0x43: {  	_ =	shalt  }
0x44: {  	_ =	shalt  }
0x45: {  	_ =	shalt  }
0x46: {  	_ =	shalt  }
0x47: {  	_ =	shalt  }
0x48: {  	_ =	shalt  }
0x49: {  	_ =	shalt  }
0x4a: {  	_ =	shalt  }
0x4b: {  	_ =	shalt  }
0x4c: {  	_ =	shalt  }
0x4d: {  	_ =	shalt  }
0x4e: {  	_ =	shalt  }
0x4f: {  	_ =	shalt  }
0x50: {  	_ =	shalt  }
0x51: {  	_ =	shalt  }
0x52: {  	_ =	shalt  }
0x53: {  	_ =	shalt  }
0x54: {  	_ =	shalt  }
0x55: {  	_ =	shalt  }
0x56: {  	_ =	shalt  }
0x57: {  	_ =	shalt  }
0x58: {  	_ =	shalt  }
0x59: {  	_ =	shalt  }
0x5a: {  	_ =	shalt  }
0x5b: {  	_ =	shalt  }
0x5c: {  	_ =	shalt  }
0x5d: {  	_ =	shalt  }
0x5e: {  	_ =	shalt  }
0x5f: {  	_ =	shalt  }
0x60: {  	_ =	shalt  }
0x61: {  	_ =	shalt  }
0x62: {  	_ =	shalt  }
0x63: {  	_ =	shalt  }
0x64: {  	_ =	shalt  }
0x65: {  	_ =	shalt  }
0x66: {  	_ =	shalt  }
0x67: {  	_ =	shalt  }
0x68: {  	_ =	shalt  }
0x69: {  	_ =	shalt  }
0x6a: {  	_ =	shalt  }
0x6b: {  	_ =	shalt  }
0x6c: {  	_ =	shalt  }
0x6d: {  	_ =	shalt  }
0x6e: {  	_ =	shalt  }
0x6f: {  	_ =	shalt  }
0x70: {  	_ =	shalt  }
0x71: {  	_ =	shalt  }
0x72: {  	_ =	shalt  }
0x73: {  	_ =	shalt  }
0x74: {  	_ =	shalt  }
0x75: {  	_ =	shalt  }
0x76: {  	_ =	shalt  }
0x77: {  	_ =	shalt  }
0x78: {  	_ =	shalt  }
0x79: {  	_ =	shalt  }
0x7a: {  	_ =	shalt  }
0x7b: {  	_ =	shalt  }
0x7c: {  	_ =	shalt  }
0x7d: {  	_ =	shalt  }
0x7e: {  	_ =	shalt  }
0x7f: {  	_ =	shalt  }
0x80: {  	_ =	shalt  }
0x81: {  	_ =	shalt  }
0x82: {  	_ =	shalt  }
0x83: {  	_ =	shalt  }
0x84: {  	_ =	shalt  }
0x85: {  	_ =	shalt  }
0x86: {  	_ =	shalt  }
0x87: {  	_ =	shalt  }
.Lfunc_end0:
.L_simem_size_0:
called_computation_lowered:
.L_overlay_start_0:
0x88: {  	s2 =	sld [smem:$0x3FD9]  }
0x89: {  	s3 =	sld [smem:$0x3FFE];
	_ =	sdelay $0x1  }
0x8a: {  	s1 =	srdreg.scid  }
0x8b: {  	s0 =	sand.u32 $0x1, s1  }
0x8c: {  	s17 =	sshll.u32 s0, $0xA;
	s2 =	sadd.s32 s3, s2  }
0x8d: {  	s2 =	sadd.s32 s2, s17  }
0x8e: {  	[smem:$0x3FBE] =	sst s2  }
0x8f: {  	_ = 	snop  }
0x90: {  	s2 =	sld [smem:$0x3FD0];
	(tm) =	ssettm $0x1  }
0x91: {  	s18 =	sld [smem:$0x3FFB];
	_ =	sdelay $0x3  }
0x92: {  	_ =	strace s18  }
0x93: {  	s3 =	sld [smem:$0x3FFC];
	_ =	sdelay $0x3  }
0x94: {  	_ =	strace s3  }
0x95: {  	s3 =	sld [smem:$0x3FFD];
	_ =	sdelay $0x3  }
0x96: {  	_ =	strace s3  }
0x97: {  	_ =	strace $0x8FFFFFFF  }
0x98: {  	s19 =	sld [smem:$0x3FDB];
	_ =	sdelay $0x1  }
0x99: {  	s4 =	simm.s32 $_scs_section_size  }
0x9a: {  	s5 =	simm.s32 $_size__tile_overlayer_lowered;
	s6 =	simm.s32 $_tile_overlayer_lowered  }
0x9b: {  	s22 =	simm.s32 $0x1BFF;
	s21 =	sshll.u32 s6, $0x1;
	s3 =	sadd.s32 s4, s19  }
0x9c: {  	s7 =	simm.s32 $0x0;
	s20 =	sshll.u32 s5, $0x1;
	s5 =	sadd.s32 s21, s3  }
0x9d: {  	[timem:s7], [sflag:s22] =	dma.local [hbm:s5], s20  }
0x9e: {  	_ =	swait.ge [sflag:s22], s20  }
0x9f: {  	s4 =	ssub.s32 $0x0, s20;
	[sflag:s22] =	ssyncset.done $0x0  }
0xa0: {  	[sflag:s22] =	ssyncadd.s32 s4;
	_ =	sdelay $0x1  }
0xa1: {  	s23 =	simm.s32 $0x1B8B  }
0xa2: {  	_ =	swait.ge [sflag:s23], $0x1  }
0xa3: {  	[sflag:s23] =	ssyncset.done $0x0  }
0xa4: {  	s25 =	simm.s32 $0x1B8E;
	s24 =	sld [smem:$0x3FFE];
	[sflag:s23] =	ssyncadd.s32 $0xFFFFFFFF  }
0xa5: {  	s26 =	simm.s32 $execute0_lowered;
	[smem:$0x3FD2] =	sst s25  }
0xa6: {  	s5 =	sshll.u32 s26, $0x1;
	_ =	strace $0x80000046;
	[dreg:$0x1] =	wrdreg $0xFFFFFFFF  }
0xa7: {  	s28 =	simm.s32 $_size_execute0_lowered;
	s3 =	sadd.s32 s3, s5;
	[dreg:$0x0] =	wrdreg $0x0  }
0xa8: {  	s5 =	sshll.u32 s28, $0x1;
	[dreg:$0x2] =	wrdreg s3  }
0xa9: {  	[dreg:$0x3] =	wrdreg s5  }
0xaa: {  	[dreg:$0x4] =	wrdreg $0xC0  }
0xab: {  	_ =	task [dreg:s7], $0x5FFFF  }
0xac: {  	[dreg:$0x1] =	wrdreg $0xFFFFFFFF  }
0xad: {  	[dreg:$0x0] =	wrdreg $0x60  }
0xae: {  	[dreg:$0x2] =	wrdreg s24  }
0xaf: {  	[dreg:$0x3] =	wrdreg s2  }
0xb0: {  	[dreg:$0x4] =	wrdreg $0xA0000  }
0xb1: {  	[dreg:$0x5] =	wrdreg $0x9  }
0xb2: {  	_ =	task.clear_ibuf [dreg:s7], $0x6FFFF;
	_ =	strace $0x90000046  }
0xb3: {  	s29 =	simm.s32 $0x9;
	_ =	strace $0x80000048  }
0xb4: {  	_ =	swait.ge [sflag:s29], $0x1  }
0xb5: {  	[sflag:s29] =	ssyncadd.s32 $0xFFFFFFFF  }
0xb6: {  	_ =	strace $0x90000048  }
0xb7: {  	_ =	sfence  }
0xb8: {  	s30 =	sld [smem:$0x0];
	_ =	sdelay $0x2  }
0xb9: {  	s31 =	sshll.u32 s1, $0xD;
	s1 =	sshrl.u32 s1, $0x2  }
0xba: {  	s3 =	sand.u32 $0x4000, s31;
	s1 =	sadd.s32 s1, s30  }
0xbb: {  	s0 =	sor.u32 s3, s0;
	s1 =	sshll.u32 s1, $0x11  }
0xbc: {  	s0 =	sor.u32 s1, s0  }
0xbd: {  	s0 =	sadd.s32 $0x8F2B, s0  }
0xbe: {  	[sflag:s0] =	ssyncadd.remote.s32 $0x1  }
0xbf: {  	_ =	sfence.sel $0xFFFF  }
0xc0: {  	[dreg:$0x0] =	wrdreg $0xFFFFFFFF;
	(pc) =	sbr.abs _section_cstart, $3  }
0xc1: {  	[dreg:$0x1] =	wrdreg $0xFFFFFFFF  }
0xc2: {  	_ =	task.clear_ibuf [dreg:s7], $0x2FFFF;
	_ =	strace $0x9FFFFFFF  }
0xc3: {  	(tm) =	ssettm $0x7FFFFFFF  }
tec
execute0_lowered:
.L_overlay_start_1:
0x0: {  	(tag) =	ssettag $0x1  }
0x1: {  	s4 =	rddreg [dreg:$0x0]  }
0x2: {  	s8 =	rddreg [dreg:$0x1]  }
0x3: {  	s2 =	rddreg [dreg:$0x2]  }
0x4: {  	s0 =	rddreg [dreg:$0x3];
	s3 =	simm.s32 $0x0;
	s5 =	srdreg.scid  }
0x5: {  	s1 =	stileid.u32;
	[smem:$0x7FF] =	sst s3;
	s6 =	sand.u32 $0x1, s5  }
0x6: {  	s29 =	sshll.u32 s1, $0x1;
	s11 =	sshll.u32 s1, $0x10;
	s14 =	sshll.u32 s1, $0xD  }
0x7: {  	s31 =	sshll.u32 s1, $0x6;
	_ =	strace $0x80000047;
	s5 =	sor.u32 s6, s29  }
0x8: {  	s9 =	ssub.s32 $0x2, s6;
	s11 =	sadd.s32 s11, s2;
	s12 =	sshll.u32 s6, $0x11  }
0x9: {  	s7 =	sshll.u32 s5, $0xA;
	s5 =	sshll.u32 s5, $0xD;
	s30 =	sshrl.u32 s9, $0x1  }
0xa: {  	s13 =	sadd.s32 s8, s12;
	s11 =	sshrl.u32 s11, $0x3;
	s12 =	simm.s32 $0x80  }
0xb: {  	s7 =	sadd.s32 s7, s4;
	s10 =	sadd.s32 s5, s4;
	s4 =	sadd.s32 $0x49400, s4  }
0xc: {  	s9 =	ssub.s32 s9, s30;
	s13 =	sadd.s32 s14, s13;
	s14 =	simm.s32 $0x0  }
0xd: {  	s5 =	sadd.s32 $0x1400, s7;
	s6 =	sadd.s32 $0x9400, s10;
	s7 =	sadd.s32 $0xA400, s10  }
0xe: {  	s8 =	smax.u32 s9, $0x1;
	s9 =	simm.s32 $0x1;
	s10 =	sor.u32 $0x1C01, s31  }
.LBB2_1:
0xf: {  	[tilespmem:s3], [sflag:$0x1] =	stream.linear.gather [hbm4b:s5+s3], $0x2000, $0x38;
	[tilespmem:$0x1A000] =	vst v63  }
0x10: {  	_ =	swait.ge [sflag:s9], $0x2000  }
0x11: {  	[sflag:s9] =	ssyncset.done $0x0  }
0x12: {  	[sflag:s9] =	ssyncadd.s32 $0xFFFFE000  }
0x13: {  	[spmem:s11], [sflag:s10] =	dma.local [hbm:s4], $0x2000  }
0x14: {  	_ =	swait.ge [sflag:s9], $0x2000  }
0x15: {  	[sflag:s9] =	ssyncset.done $0x0  }
0x16: {  	[sflag:s9] =	ssyncadd.s32 $0xFFFFE000  }
0x17: {  	s15 =	simm.s32 $0x2000;
	[bflag:$0x0] =	sbarrier.arrive $0xFFFF  }
0x18: {  	[tilespmem:s15], [sflag:$0x1] =	stream.linear.gather [hbm4b:s6+s3], $0x8000, $0x38;
	[tilespmem:$0x1A000] =	vst v63  }
0x19: {  	_ =	swait.ge [sflag:s9], $0x8000  }
0x1a: {  	[sflag:s9] =	ssyncset.done $0x0  }
0x1b: {  	s16 =	simm.s32 $0x0;
	[sflag:s9] =	ssyncadd.s32 $0xFFFF8000  }
0x1c: {  	[spmem:s2] =	stream.indirect.scatter.add.f32 [tilespmem:s15], [sflag:$0x1], $0x8, s16, s12, $0xb8;
	[tilespmem:$0x1A000] =	vst v63  }
0x1d: {  	_ =	swait.ge [sflag:s9], $0x400  }
0x1e: {  	s16 =	simm.s32 $0x200;
	[sflag:s9] =	ssyncset.done $0x0  }
.LBB2_2:
0x1f: {  	s17 =	sshra.s32 s16, $0x2  }
0x20: {  	[sflag:s9] =	ssyncadd.s32 $0xFFFFFC00;
	s15 =	sadd.s32 $0x400, s15;
	p0 =	sne.s32 s16, $0x3E00  }
0x21: {  	[spmem:s2] =	stream.indirect.scatter.add.f32 [tilespmem:s15], [sflag:$0x1], $0x8, s17, s12, $0xb8;
	[tilespmem:$0x1A000] =	vst v63  }
.Ltmp0:
0x22: {  	_ = 	snop;
	(pc) =	sbr.rel @p0 .LBB2_2-.Ltmp0, $4  }
0x23: {  	_ = 	snop  }
0x24: {  	s16 =	sadd.s32 $0x200, s16  }
0x25: {  	_ =	swait.ge [sflag:s9], $0x400  }
0x26: {  	[sflag:s9] =	ssyncset.done $0x0  }
0x27: {  	[sflag:s9] =	ssyncadd.s32 $0xFFFFFC00;
	s16 =	simm.s32 $0x0;
	s15 =	simm.s32 $0x2000  }
0x28: {  	[tilespmem:s15], [sflag:$0x1] =	stream.linear.gather [hbm4b:s7+s16], $0x8000, $0x38;
	[tilespmem:$0x1A000] =	vst v63  }
0x29: {  	_ =	swait.ge [sflag:s9], $0x8000  }
0x2a: {  	[sflag:s9] =	ssyncset.done $0x0  }
0x2b: {  	s31 =	simm.s32 $0x1000;
	[sflag:s9] =	ssyncadd.s32 $0xFFFF8000  }
0x2c: {  	[spmem:s2] =	stream.indirect.scatter.add.f32 [tilespmem:s15], [sflag:$0x1], $0x8, s31, s12, $0xb8;
	[tilespmem:$0x1A000] =	vst v63  }
0x2d: {  	s16 =	simm.s32 $0x200;
	_ =	swait.ge [sflag:s9], $0x400  }
.LBB2_4:
0x2e: {  	s17 =	sshra.s32 s16, $0x2  }
0x2f: {  	[sflag:s9] =	ssyncset.done $0x0;
	s15 =	sadd.s32 $0x400, s15;
	p0 =	sne.s32 s16, $0x3E00  }
.Ltmp1:
0x30: {  	s17 =	sadd.s32 $0x1000, s17;
	[sflag:s9] =	ssyncadd.s32 $0xFFFFFC00;
	(pc) =	sbr.rel @p0 .LBB2_4-.Ltmp1, $3  }
0x31: {  	[spmem:s2] =	stream.indirect.scatter.add.f32 [tilespmem:s15], [sflag:$0x1], $0x8, s17, s12, $0xb8;
	[tilespmem:$0x1A000] =	vst v63  }
0x32: {  	s16 =	sadd.s32 $0x200, s16;
	_ =	sdelay $0x1  }
0x33: {  	_ =	swait.ge [sflag:s9], $0x400  }
0x34: {  	[sflag:s9] =	ssyncset.done $0x0;
	s14 =	sadd.s32 $0x1, s14  }
0x35: {  	[sflag:s9] =	ssyncadd.s32 $0xFFFFFC00;
	p0 =	sne.s32 s14, s8  }
.Ltmp2:
0x36: {  	[bflag:$0x0] =	sbarrier.arrive $0xFFFF;
	(pc) =	sbr.rel @p0 .LBB2_1-.Ltmp2, $4  }
0x37: {  	[hbm:s13], [sflag:s10] =	dma.local [spmem:s11], $0x2000  }
0x38: {  	_ =	swait.ge [sflag:s9], $0x2000  }
0x39: {  	[sflag:s9] =	ssyncset.done $0x0  }
0x3a: {  	[sflag:s9] =	ssyncadd.s32 $0xFFFFE000  }
0x3b: {  	_ =	sfence.sel $0x180000  }
0x3c: {  	[bflag:$0x0] =	sbarrier.arrive $0xFFFF  }
0x3d: {  	p0 =	sne.s32 s1, $0x0;
	_ =	strace $0x90000047  }
0x3e: {  	s0 =	sadd.s32 @!p0 $0x100000, s0;
	[bflag:$0x2] =	sbarrier.arrive $0xFFFF  }
0x3f: {  	[sflag:s0] =	ssyncadd.tile.s32 @!p0 $0x1;
	_ =	shalt  }
.Lfunc_end2:
_tile_overlayer_lowered:
.L_overlay_start_2:
0x40: {  	(tag) =	ssettag $0x2  }
0x41: {  	s0 =	rddreg [dreg:$0x0];
	s2 =	stileid.u32  }
0x42: {  	s1 =	rddreg [dreg:$0x1];
	p0 =	sne.s32 s2, $0x0  }
0x43: {  	s3 =	rddreg [dreg:$0x2];
	[bflag:$0x3] =	sbarrier.arrive $0xFFFF;
	s2 =	simm.s32 @!p0 $0x1C01  }
0x44: {  	[timem:s3], [sflag:s2] =	dma.local @!p0 [hbm:s0], s1  }
0x45: {  	s0 =	simm.s32 @!p0 $0x1  }
0x46: {  	_ =	swait.ge @!p0 [sflag:s0], s1  }
0x47: {  	s1 =	ssub.s32 @!p0 $0x0, s1;
	[sflag:s0] =	ssyncset.done @!p0 $0x0  }
0x48: {  	[sflag:s0] =	ssyncadd.s32 @!p0 s1  }
0x49: {  	[bflag:$0x3] =	sbarrier.arrive $0xFFFF  }
0x4a: {  	_ =	shalt  }

</sc_bundles>
